<compile_context>
chip_gen: v7x
topology: tpu7x:2x2x1
jax: 0.10.2.dev20260603
libtpu: 0.0.44.dev20260713+nightly
codegen_flags: <defaults>
</compile_context>

<pallas_src>
import functools

import jax
import jax.numpy as jnp
from jax import lax
from jax.experimental import pallas as pl
from jax.experimental.pallas import tpu as pltpu
from jax.experimental.pallas import tpu_sc as plsc

_LANES = 16
_NCHUNK = 3


@functools.cache
def _build(n, tab_n):
    info = plsc.get_sparse_core_info()
    nc, ns = info.num_cores, info.num_subcores
    nw = nc * ns
    b_per_w = (n // (nw * 8)) * 8
    tail = n - nw * b_per_w
    assert tail % _LANES == 0 and b_per_w % _LANES == 0
    assert b_per_w % (_NCHUNK * _LANES) == 0
    cs = b_per_w // _NCHUNK

    mesh = plsc.VectorSubcoreMesh(core_axis_name="c", subcore_axis_name="s")

    @functools.partial(
        pl.kernel,
        mesh=mesh,
        out_type=jax.ShapeDtypeStruct((n,), jnp.float32),
        compiler_params=pltpu.CompilerParams(
            needs_layout_passes=False,
            disable_bounds_checks=True,
            skip_device_barrier=True,
            use_tc_tiling_on_sc=False,
        ),
        scratch_types=[
            pltpu.VMEM((tab_n,), jnp.float32),
            pltpu.VMEM((2, cs), jnp.int32),
            pltpu.VMEM((2, cs), jnp.float32),
            pltpu.VMEM((max(tail, _LANES),), jnp.int32),
            pltpu.VMEM((max(tail, _LANES),), jnp.float32),
            pltpu.SemaphoreType.DMA,
            pltpu.SemaphoreType.DMA,
            pltpu.SemaphoreType.DMA,
            pltpu.SemaphoreType.DMA,
            pltpu.SemaphoreType.DMA,
        ],
    )
    def atomref_gather(z_hbm, tab_hbm, out_hbm,
                       tab_v, z_v, g_v, zt_v, gt_v,
                       sem_t, sem_z0, sem_z1, sem_s0, sem_s1):
        wid = lax.axis_index("s") * nc + lax.axis_index("c")
        base = wid * b_per_w
        zsems = (sem_z0, sem_z1)
        ssems = (sem_s0, sem_s1)

        ct = pltpu.async_copy(tab_hbm, tab_v, sem_t)
        loads = [None] * _NCHUNK
        stores = [None] * _NCHUNK
        for k in range(min(2, _NCHUNK)):
            loads[k] = pltpu.async_copy(
                z_hbm.at[pl.ds(base + k * cs, cs)], z_v.at[k], zsems[k])
        ct.wait()

        if tail:
            tbase = nw * b_per_w

            @pl.when(wid == nw - 1)
            def _():
                pltpu.async_copy(z_hbm.at[pl.ds(tbase, tail)], zt_v, sem_t)

        for k in range(_NCHUNK):
            buf = k % 2
            loads[k].wait()
            if k >= 2:
                stores[k - 2].wait()

            @plsc.parallel_loop(0, cs, step=_LANES, unroll=8)
            def body(o):
                zi = z_v[buf, pl.ds(o, _LANES)]
                g_v[buf, pl.ds(o, _LANES)] = plsc.load_gather(tab_v, [zi])

            stores[k] = pltpu.async_copy(
                g_v.at[buf], out_hbm.at[pl.ds(base + k * cs, cs)], ssems[buf])
            if k + 2 < _NCHUNK:
                loads[k + 2] = pltpu.async_copy(
                    z_hbm.at[pl.ds(base + (k + 2) * cs, cs)], z_v.at[buf],
                    zsems[buf])

        if tail:
            @pl.when(wid == nw - 1)
            def _():
                pltpu.make_async_copy(
                    z_hbm.at[pl.ds(tbase, tail)], zt_v, sem_t).wait()

                @plsc.parallel_loop(0, tail, step=_LANES, unroll=4)
                def tbody(o):
                    zi = zt_v[pl.ds(o, _LANES)]
                    gt_v[pl.ds(o, _LANES)] = plsc.load_gather(tab_v, [zi])

                pltpu.sync_copy(gt_v, out_hbm.at[pl.ds(tbase, tail)])

        for k in range(max(0, _NCHUNK - 2), _NCHUNK):
            stores[k].wait()

    return atomref_gather


def kernel(x, z, pos, batch, atomref):
    n = x.shape[0]
    tab = atomref.reshape(-1)
    gathered = _build(n, tab.shape[0])(z, tab)
    return x + gathered.reshape(n, 1)

# --- scband reference (transcript-rebuilt; emitter-appended) ---
"""Pipeline reference for scband-atomref-55585466745172 (READ-ONLY COPY).

The authoritative reference and input builder live on the scoring server;
editing this copy changes nothing except your own understanding.
"""

import jax, jax.numpy as jnp
import numpy as np

N = 1000000
MAX_Z = 100

def setup_inputs(seed: int = 0) -> dict:
    key = jax.random.key(seed)
    k1, k2, k3, k4 = jax.random.split(key, 4)
    x = jax.random.normal(k1, (N, 1), dtype=jnp.float32)
    z = jax.random.randint(k2, (N,), 0, MAX_Z, dtype=jnp.int64 if jax.config.jax_enable_x64 else jnp.int32).astype(jnp.int32)
    pos = jax.random.normal(k3, (N, 3), dtype=jnp.float32)
    batch = jnp.sort(jax.random.randint(k4, (N,), 0, 1024).astype(jnp.int32))
    # Atomref embedding weight: initialized to zeros(max_z, 1) per the module's __init__
    atomref = jnp.zeros((MAX_Z, 1), dtype=jnp.float32)
    return {"x": x, "z": z, "pos": pos, "batch": batch, "atomref": atomref}

def reference(x, z, pos, batch, atomref):
    # Atomref.forward: x + self.atomref(z)
    # pos and batch are accepted per the BasePrior signature but unused.
    return x + jnp.take(atomref, z, axis=0)

if __name__ == "__main__":
    import jax
    _d = setup_inputs()
    print(jax.jit(kernel)(*tuple(_d.values())))

</pallas_src>

<mosaic_0001>
#map = affine_map<(d0, d1) -> (0)>
module attributes {stable_mosaic.version = 14 : i64} {
  func.func @atomref_gather(%arg0: i32, %arg1: i32, %arg2: memref<1000000xi32, #tpu.memory_space<hbm>>, %arg3: memref<100xf32, #tpu.memory_space<hbm>>, %arg4: memref<1000000xf32, #tpu.memory_space<hbm>>, %arg5: memref<100xf32, #tpu.memory_space<vmem>>, %arg6: memref<2x10416xi32, #tpu.memory_space<vmem>>, %arg7: memref<2x10416xf32, #tpu.memory_space<vmem>>, %arg8: memref<64xi32, #tpu.memory_space<vmem>>, %arg9: memref<64xf32, #tpu.memory_space<vmem>>, %arg10: memref<!tpu.dma_semaphore, #tpu.memory_space<semaphore_mem>>, %arg11: memref<!tpu.dma_semaphore, #tpu.memory_space<semaphore_mem>>, %arg12: memref<!tpu.dma_semaphore, #tpu.memory_space<semaphore_mem>>, %arg13: memref<!tpu.dma_semaphore, #tpu.memory_space<semaphore_mem>>, %arg14: memref<!tpu.dma_semaphore, #tpu.memory_space<semaphore_mem>>) attributes {dimension_semantics = [#tpu.dimension_semantics<core_parallel>, #tpu.dimension_semantics<subcore_parallel>], iteration_bounds = array<i64: 2, 16>, scalar_prefetch = 0 : i64, scratch_operands = 10 : i64, tpu.core_type = #tpu.core_type<sc_vector_subcore>, window_params = [{transform_indices = #map}, {transform_indices = #map}, {transform_indices = #map}]} {
    %mul3A = arith.constant 2 : i32
    %mul3A_0 = arith.muli %arg1, %mul3A : i32
    %add3A = arith.addi %mul3A_0, %arg0 : i32
    %mul3A_1 = arith.constant 31248 : i32
    %mul3A_2 = arith.muli %add3A, %mul3A_1 : i32
    tpu.enqueue_dma source(%arg3 : memref<100xf32, #tpu.memory_space<hbm>>) target(%arg5 : memref<100xf32, #tpu.memory_space<vmem>>) target_semaphore(%arg10 : memref<!tpu.dma_semaphore, #tpu.memory_space<semaphore_mem>>)
    %add3A_3 = arith.constant 0 : i32
    %add3A_4 = arith.addi %mul3A_2, %add3A_3 : i32
    %dma_start3A = arith.constant 0 : i32
    %dma_start3A_5 = arith.constant 0 : i32
    %dma_start3A_6 = tpu.memref_slice %arg6[%dma_start3A, %dma_start3A_5] : memref<2x10416xi32, #tpu.memory_space<vmem>> -> memref<1x10416xi32, #tpu.memory_space<vmem>>
    %dma_start3A_7 = tpu.memref_squeeze %dma_start3A_6 : memref<1x10416xi32, #tpu.memory_space<vmem>> -> memref<10416xi32, #tpu.memory_space<vmem>>
    %dma_start3A_8 = tpu.memref_slice %arg2[%add3A_4] : memref<1000000xi32, #tpu.memory_space<hbm>> -> memref<10416xi32, #tpu.memory_space<hbm>>
    %dma_start3A_9 = arith.constant 0 : i32
    %dma_start3A_10 = tpu.memref_slice %arg6[%dma_start3A, %dma_start3A_9] : memref<2x10416xi32, #tpu.memory_space<vmem>> -> memref<1x10416xi32, #tpu.memory_space<vmem>>
    %dma_start3A_11 = tpu.memref_squeeze %dma_start3A_10 : memref<1x10416xi32, #tpu.memory_space<vmem>> -> memref<10416xi32, #tpu.memory_space<vmem>>
    %dma_start3A_12 = tpu.memref_slice %arg2[%add3A_4] : memref<1000000xi32, #tpu.memory_space<hbm>> -> memref<10416xi32, #tpu.memory_space<hbm>>
    tpu.enqueue_dma source(%dma_start3A_12 : memref<10416xi32, #tpu.memory_space<hbm>>) target(%dma_start3A_11 : memref<10416xi32, #tpu.memory_space<vmem>>) target_semaphore(%arg11 : memref<!tpu.dma_semaphore, #tpu.memory_space<semaphore_mem>>)
    %add3A_13 = arith.constant 10416 : i32
    %add3A_14 = arith.addi %mul3A_2, %add3A_13 : i32
    %dma_start3A_15 = arith.constant 1 : i32
    %dma_start3A_16 = arith.constant 0 : i32
    %dma_start3A_17 = tpu.memref_slice %arg6[%dma_start3A_15, %dma_start3A_16] : memref<2x10416xi32, #tpu.memory_space<vmem>> -> memref<1x10416xi32, #tpu.memory_space<vmem>>
    %dma_start3A_18 = tpu.memref_squeeze %dma_start3A_17 : memref<1x10416xi32, #tpu.memory_space<vmem>> -> memref<10416xi32, #tpu.memory_space<vmem>>
    %dma_start3A_19 = tpu.memref_slice %arg2[%add3A_14] : memref<1000000xi32, #tpu.memory_space<hbm>> -> memref<10416xi32, #tpu.memory_space<hbm>>
    %dma_start3A_20 = arith.constant 0 : i32
    %dma_start3A_21 = tpu.memref_slice %arg6[%dma_start3A_15, %dma_start3A_20] : memref<2x10416xi32, #tpu.memory_space<vmem>> -> memref<1x10416xi32, #tpu.memory_space<vmem>>
    %dma_start3A_22 = tpu.memref_squeeze %dma_start3A_21 : memref<1x10416xi32, #tpu.memory_space<vmem>> -> memref<10416xi32, #tpu.memory_space<vmem>>
    %dma_start3A_23 = tpu.memref_slice %arg2[%add3A_14] : memref<1000000xi32, #tpu.memory_space<hbm>> -> memref<10416xi32, #tpu.memory_space<hbm>>
    tpu.enqueue_dma source(%dma_start3A_23 : memref<10416xi32, #tpu.memory_space<hbm>>) target(%dma_start3A_22 : memref<10416xi32, #tpu.memory_space<vmem>>) target_semaphore(%arg12 : memref<!tpu.dma_semaphore, #tpu.memory_space<semaphore_mem>>)
    tpu.wait_dma2 semaphore(%arg10 : memref<!tpu.dma_semaphore, #tpu.memory_space<semaphore_mem>>) src(%arg3 : memref<100xf32, #tpu.memory_space<hbm>>) dst(%arg5 : memref<100xf32, #tpu.memory_space<vmem>>)
    %eq3A = arith.constant 31 : i32
    %eq3A_24 = arith.cmpi eq, %add3A, %eq3A : i32
    %convert_element_type3A = arith.extui %eq3A_24 : i1 to i32
    %cond3A = arith.constant 0 : i32
    %cond3A_25 = arith.cmpi ne, %convert_element_type3A, %cond3A : i32
    scf.if %cond3A_25 {
      %dma_start3A_136 = arith.constant 999936 : i32
      %dma_start3A_137 = tpu.memref_slice %arg2[%dma_start3A_136] : memref<1000000xi32, #tpu.memory_space<hbm>> -> memref<64xi32, #tpu.memory_space<hbm>>
      %dma_start3A_138 = arith.constant 999936 : i32
      %dma_start3A_139 = tpu.memref_slice %arg2[%dma_start3A_138] : memref<1000000xi32, #tpu.memory_space<hbm>> -> memref<64xi32, #tpu.memory_space<hbm>>
      tpu.enqueue_dma source(%dma_start3A_139 : memref<64xi32, #tpu.memory_space<hbm>>) target(%arg8 : memref<64xi32, #tpu.memory_space<vmem>>) target_semaphore(%arg10 : memref<!tpu.dma_semaphore, #tpu.memory_space<semaphore_mem>>)
    } else {
    }
    %dma_wait3A = arith.constant 0 : i32
    %dma_wait3A_26 = arith.constant 0 : i32
    %dma_wait3A_27 = tpu.memref_slice %arg6[%dma_wait3A, %dma_wait3A_26] : memref<2x10416xi32, #tpu.memory_space<vmem>> -> memref<1x10416xi32, #tpu.memory_space<vmem>>
    %dma_wait3A_28 = tpu.memref_squeeze %dma_wait3A_27 : memref<1x10416xi32, #tpu.memory_space<vmem>> -> memref<10416xi32, #tpu.memory_space<vmem>>
    %dma_wait3A_29 = tpu.memref_slice %arg2[%add3A_4] : memref<1000000xi32, #tpu.memory_space<hbm>> -> memref<10416xi32, #tpu.memory_space<hbm>>
    %dma_wait3A_30 = arith.constant 0 : i32
    %dma_wait3A_31 = tpu.memref_slice %arg6[%dma_wait3A, %dma_wait3A_30] : memref<2x10416xi32, #tpu.memory_space<vmem>> -> memref<1x10416xi32, #tpu.memory_space<vmem>>
    %dma_wait3A_32 = tpu.memref_squeeze %dma_wait3A_31 : memref<1x10416xi32, #tpu.memory_space<vmem>> -> memref<10416xi32, #tpu.memory_space<vmem>>
    %dma_wait3A_33 = tpu.memref_slice %arg2[%add3A_4] : memref<1000000xi32, #tpu.memory_space<hbm>> -> memref<10416xi32, #tpu.memory_space<hbm>>
    tpu.wait_dma2 semaphore(%arg11 : memref<!tpu.dma_semaphore, #tpu.memory_space<semaphore_mem>>) src(%dma_wait3A_33 : memref<10416xi32, #tpu.memory_space<hbm>>) dst(%dma_wait3A_32 : memref<10416xi32, #tpu.memory_space<vmem>>)
    %parallel_loop3A = arith.constant 0 : i32
    %parallel_loop3A_34 = arith.constant 10416 : i32
    %parallel_loop3A_35 = arith.constant 16 : i32
    scf.for %parallel_loop3A_136 = %parallel_loop3A to %parallel_loop3A_34 step %parallel_loop3A_35  : i32 {
      %parallel_loop3A_137 = arith.constant 0 : i32
      %parallel_loop3A_138 = arith.index_cast %parallel_loop3A_137 : i32 to index
      %parallel_loop3A_139 = arith.index_cast %parallel_loop3A_136 : i32 to index
      %parallel_loop3A_140 = tpu.vector_load %arg6[%parallel_loop3A_138, %parallel_loop3A_139] {strides = array<i32>} : memref<2x10416xi32, #tpu.memory_space<vmem>>, vector<16xi32>,
      %parallel_loop3A_141 = tpu.vector_load_idx %arg5[%parallel_loop3A_140] : memref<100xf32, #tpu.memory_space<vmem>>[vector<16xi32>], vector<16xf32>,
      %parallel_loop3A_142 = arith.constant 0 : i32
      %parallel_loop3A_143 = arith.index_cast %parallel_loop3A_142 : i32 to index
      %parallel_loop3A_144 = arith.index_cast %parallel_loop3A_136 : i32 to index
      %parallel_loop3A_145 = tpu.vector_load %arg7[%parallel_loop3A_143, %parallel_loop3A_144] {strides = array<i32>} : memref<2x10416xf32, #tpu.memory_space<vmem>>, vector<16xf32>,
      tpu.vector_store %arg7[%parallel_loop3A_143, %parallel_loop3A_144], %parallel_loop3A_141 {strides = array<i32>} : memref<2x10416xf32, #tpu.memory_space<vmem>>, vector<16xf32>,
    } {sc.loop_unroll_factor = 8 : i64, sc.parallel_access}
    %add3A_36 = arith.constant 0 : i32
    %add3A_37 = arith.addi %mul3A_2, %add3A_36 : i32
    %dma_start3A_38 = arith.constant 0 : i32
    %dma_start3A_39 = arith.constant 0 : i32
    %dma_start3A_40 = tpu.memref_slice %arg7[%dma_start3A_38, %dma_start3A_39] : memref<2x10416xf32, #tpu.memory_space<vmem>> -> memref<1x10416xf32, #tpu.memory_space<vmem>>
    %dma_start3A_41 = tpu.memref_squeeze %dma_start3A_40 : memref<1x10416xf32, #tpu.memory_space<vmem>> -> memref<10416xf32, #tpu.memory_space<vmem>>
    %dma_start3A_42 = tpu.memref_slice %arg4[%add3A_37] : memref<1000000xf32, #tpu.memory_space<hbm>> -> memref<10416xf32, #tpu.memory_space<hbm>>
    %dma_start3A_43 = tpu.memref_slice %arg4[%add3A_37] : memref<1000000xf32, #tpu.memory_space<hbm>> -> memref<10416xf32, #tpu.memory_space<hbm>>
    %dma_start3A_44 = arith.constant 0 : i32
    %dma_start3A_45 = tpu.memref_slice %arg7[%dma_start3A_38, %dma_start3A_44] : memref<2x10416xf32, #tpu.memory_space<vmem>> -> memref<1x10416xf32, #tpu.memory_space<vmem>>
    %dma_start3A_46 = tpu.memref_squeeze %dma_start3A_45 : memref<1x10416xf32, #tpu.memory_space<vmem>> -> memref<10416xf32, #tpu.memory_space<vmem>>
    tpu.enqueue_dma source(%dma_start3A_46 : memref<10416xf32, #tpu.memory_space<vmem>>) target(%dma_start3A_43 : memref<10416xf32, #tpu.memory_space<hbm>>) target_semaphore(%arg13 : memref<!tpu.dma_semaphore, #tpu.memory_space<semaphore_mem>>)
    %add3A_47 = arith.constant 20832 : i32
    %add3A_48 = arith.addi %mul3A_2, %add3A_47 : i32
    %dma_start3A_49 = arith.constant 0 : i32
    %dma_start3A_50 = arith.constant 0 : i32
    %dma_start3A_51 = tpu.memref_slice %arg6[%dma_start3A_49, %dma_start3A_50] : memref<2x10416xi32, #tpu.memory_space<vmem>> -> memref<1x10416xi32, #tpu.memory_space<vmem>>
    %dma_start3A_52 = tpu.memref_squeeze %dma_start3A_51 : memref<1x10416xi32, #tpu.memory_space<vmem>> -> memref<10416xi32, #tpu.memory_space<vmem>>
    %dma_start3A_53 = tpu.memref_slice %arg2[%add3A_48] : memref<1000000xi32, #tpu.memory_space<hbm>> -> memref<10416xi32, #tpu.memory_space<hbm>>
    %dma_start3A_54 = arith.constant 0 : i32
    %dma_start3A_55 = tpu.memref_slice %arg6[%dma_start3A_49, %dma_start3A_54] : memref<2x10416xi32, #tpu.memory_space<vmem>> -> memref<1x10416xi32, #tpu.memory_space<vmem>>
    %dma_start3A_56 = tpu.memref_squeeze %dma_start3A_55 : memref<1x10416xi32, #tpu.memory_space<vmem>> -> memref<10416xi32, #tpu.memory_space<vmem>>
    %dma_start3A_57 = tpu.memref_slice %arg2[%add3A_48] : memref<1000000xi32, #tpu.memory_space<hbm>> -> memref<10416xi32, #tpu.memory_space<hbm>>
    tpu.enqueue_dma source(%dma_start3A_57 : memref<10416xi32, #tpu.memory_space<hbm>>) target(%dma_start3A_56 : memref<10416xi32, #tpu.memory_space<vmem>>) target_semaphore(%arg11 : memref<!tpu.dma_semaphore, #tpu.memory_space<semaphore_mem>>)
    %dma_wait3A_58 = arith.constant 1 : i32
    %dma_wait3A_59 = arith.constant 0 : i32
    %dma_wait3A_60 = tpu.memref_slice %arg6[%dma_wait3A_58, %dma_wait3A_59] : memref<2x10416xi32, #tpu.memory_space<vmem>> -> memref<1x10416xi32, #tpu.memory_space<vmem>>
    %dma_wait3A_61 = tpu.memref_squeeze %dma_wait3A_60 : memref<1x10416xi32, #tpu.memory_space<vmem>> -> memref<10416xi32, #tpu.memory_space<vmem>>
    %dma_wait3A_62 = tpu.memref_slice %arg2[%add3A_14] : memref<1000000xi32, #tpu.memory_space<hbm>> -> memref<10416xi32, #tpu.memory_space<hbm>>
    %dma_wait3A_63 = arith.constant 0 : i32
    %dma_wait3A_64 = tpu.memref_slice %arg6[%dma_wait3A_58, %dma_wait3A_63] : memref<2x10416xi32, #tpu.memory_space<vmem>> -> memref<1x10416xi32, #tpu.memory_space<vmem>>
    %dma_wait3A_65 = tpu.memref_squeeze %dma_wait3A_64 : memref<1x10416xi32, #tpu.memory_space<vmem>> -> memref<10416xi32, #tpu.memory_space<vmem>>
    %dma_wait3A_66 = tpu.memref_slice %arg2[%add3A_14] : memref<1000000xi32, #tpu.memory_space<hbm>> -> memref<10416xi32, #tpu.memory_space<hbm>>
    tpu.wait_dma2 semaphore(%arg12 : memref<!tpu.dma_semaphore, #tpu.memory_space<semaphore_mem>>) src(%dma_wait3A_66 : memref<10416xi32, #tpu.memory_space<hbm>>) dst(%dma_wait3A_65 : memref<10416xi32, #tpu.memory_space<vmem>>)
    %parallel_loop3A_67 = arith.constant 0 : i32
    %parallel_loop3A_68 = arith.constant 10416 : i32
    %parallel_loop3A_69 = arith.constant 16 : i32
    scf.for %parallel_loop3A_136 = %parallel_loop3A_67 to %parallel_loop3A_68 step %parallel_loop3A_69  : i32 {
      %parallel_loop3A_137 = arith.constant 1 : i32
      %parallel_loop3A_138 = arith.index_cast %parallel_loop3A_137 : i32 to index
      %parallel_loop3A_139 = arith.index_cast %parallel_loop3A_136 : i32 to index
      %parallel_loop3A_140 = tpu.vector_load %arg6[%parallel_loop3A_138, %parallel_loop3A_139] {strides = array<i32>} : memref<2x10416xi32, #tpu.memory_space<vmem>>, vector<16xi32>,
      %parallel_loop3A_141 = tpu.vector_load_idx %arg5[%parallel_loop3A_140] : memref<100xf32, #tpu.memory_space<vmem>>[vector<16xi32>], vector<16xf32>,
      %parallel_loop3A_142 = arith.constant 1 : i32
      %parallel_loop3A_143 = arith.index_cast %parallel_loop3A_142 : i32 to index
      %parallel_loop3A_144 = arith.index_cast %parallel_loop3A_136 : i32 to index
      %parallel_loop3A_145 = tpu.vector_load %arg7[%parallel_loop3A_143, %parallel_loop3A_144] {strides = array<i32>} : memref<2x10416xf32, #tpu.memory_space<vmem>>, vector<16xf32>,
      tpu.vector_store %arg7[%parallel_loop3A_143, %parallel_loop3A_144], %parallel_loop3A_141 {strides = array<i32>} : memref<2x10416xf32, #tpu.memory_space<vmem>>, vector<16xf32>,
    } {sc.loop_unroll_factor = 8 : i64, sc.parallel_access}
    %add3A_70 = arith.constant 10416 : i32
    %add3A_71 = arith.addi %mul3A_2, %add3A_70 : i32
    %dma_start3A_72 = arith.constant 1 : i32
    %dma_start3A_73 = arith.constant 0 : i32
    %dma_start3A_74 = tpu.memref_slice %arg7[%dma_start3A_72, %dma_start3A_73] : memref<2x10416xf32, #tpu.memory_space<vmem>> -> memref<1x10416xf32, #tpu.memory_space<vmem>>
    %dma_start3A_75 = tpu.memref_squeeze %dma_start3A_74 : memref<1x10416xf32, #tpu.memory_space<vmem>> -> memref<10416xf32, #tpu.memory_space<vmem>>
    %dma_start3A_76 = tpu.memref_slice %arg4[%add3A_71] : memref<1000000xf32, #tpu.memory_space<hbm>> -> memref<10416xf32, #tpu.memory_space<hbm>>
    %dma_start3A_77 = tpu.memref_slice %arg4[%add3A_71] : memref<1000000xf32, #tpu.memory_space<hbm>> -> memref<10416xf32, #tpu.memory_space<hbm>>
    %dma_start3A_78 = arith.constant 0 : i32
    %dma_start3A_79 = tpu.memref_slice %arg7[%dma_start3A_72, %dma_start3A_78] : memref<2x10416xf32, #tpu.memory_space<vmem>> -> memref<1x10416xf32, #tpu.memory_space<vmem>>
    %dma_start3A_80 = tpu.memref_squeeze %dma_start3A_79 : memref<1x10416xf32, #tpu.memory_space<vmem>> -> memref<10416xf32, #tpu.memory_space<vmem>>
    tpu.enqueue_dma source(%dma_start3A_80 : memref<10416xf32, #tpu.memory_space<vmem>>) target(%dma_start3A_77 : memref<10416xf32, #tpu.memory_space<hbm>>) target_semaphore(%arg14 : memref<!tpu.dma_semaphore, #tpu.memory_space<semaphore_mem>>)
    %dma_wait3A_81 = arith.constant 0 : i32
    %dma_wait3A_82 = arith.constant 0 : i32
    %dma_wait3A_83 = tpu.memref_slice %arg6[%dma_wait3A_81, %dma_wait3A_82] : memref<2x10416xi32, #tpu.memory_space<vmem>> -> memref<1x10416xi32, #tpu.memory_space<vmem>>
    %dma_wait3A_84 = tpu.memref_squeeze %dma_wait3A_83 : memref<1x10416xi32, #tpu.memory_space<vmem>> -> memref<10416xi32, #tpu.memory_space<vmem>>
    %dma_wait3A_85 = tpu.memref_slice %arg2[%add3A_48] : memref<1000000xi32, #tpu.memory_space<hbm>> -> memref<10416xi32, #tpu.memory_space<hbm>>
    %dma_wait3A_86 = arith.constant 0 : i32
    %dma_wait3A_87 = tpu.memref_slice %arg6[%dma_wait3A_81, %dma_wait3A_86] : memref<2x10416xi32, #tpu.memory_space<vmem>> -> memref<1x10416xi32, #tpu.memory_space<vmem>>
    %dma_wait3A_88 = tpu.memref_squeeze %dma_wait3A_87 : memref<1x10416xi32, #tpu.memory_space<vmem>> -> memref<10416xi32, #tpu.memory_space<vmem>>
    %dma_wait3A_89 = tpu.memref_slice %arg2[%add3A_48] : memref<1000000xi32, #tpu.memory_space<hbm>> -> memref<10416xi32, #tpu.memory_space<hbm>>
    tpu.wait_dma2 semaphore(%arg11 : memref<!tpu.dma_semaphore, #tpu.memory_space<semaphore_mem>>) src(%dma_wait3A_89 : memref<10416xi32, #tpu.memory_space<hbm>>) dst(%dma_wait3A_88 : memref<10416xi32, #tpu.memory_space<vmem>>)
    %dma_wait3A_90 = arith.constant 0 : i32
    %dma_wait3A_91 = arith.constant 0 : i32
    %dma_wait3A_92 = tpu.memref_slice %arg7[%dma_wait3A_90, %dma_wait3A_91] : memref<2x10416xf32, #tpu.memory_space<vmem>> -> memref<1x10416xf32, #tpu.memory_space<vmem>>
    %dma_wait3A_93 = tpu.memref_squeeze %dma_wait3A_92 : memref<1x10416xf32, #tpu.memory_space<vmem>> -> memref<10416xf32, #tpu.memory_space<vmem>>
    %dma_wait3A_94 = tpu.memref_slice %arg4[%add3A_37] : memref<1000000xf32, #tpu.memory_space<hbm>> -> memref<10416xf32, #tpu.memory_space<hbm>>
    %dma_wait3A_95 = tpu.memref_slice %arg4[%add3A_37] : memref<1000000xf32, #tpu.memory_space<hbm>> -> memref<10416xf32, #tpu.memory_space<hbm>>
    %dma_wait3A_96 = arith.constant 0 : i32
    %dma_wait3A_97 = tpu.memref_slice %arg7[%dma_wait3A_90, %dma_wait3A_96] : memref<2x10416xf32, #tpu.memory_space<vmem>> -> memref<1x10416xf32, #tpu.memory_space<vmem>>
    %dma_wait3A_98 = tpu.memref_squeeze %dma_wait3A_97 : memref<1x10416xf32, #tpu.memory_space<vmem>> -> memref<10416xf32, #tpu.memory_space<vmem>>
    tpu.wait_dma2 semaphore(%arg13 : memref<!tpu.dma_semaphore, #tpu.memory_space<semaphore_mem>>) src(%dma_wait3A_98 : memref<10416xf32, #tpu.memory_space<vmem>>) dst(%dma_wait3A_95 : memref<10416xf32, #tpu.memory_space<hbm>>)
    %parallel_loop3A_99 = arith.constant 0 : i32
    %parallel_loop3A_100 = arith.constant 10416 : i32
    %parallel_loop3A_101 = arith.constant 16 : i32
    scf.for %parallel_loop3A_136 = %parallel_loop3A_99 to %parallel_loop3A_100 step %parallel_loop3A_101  : i32 {
      %parallel_loop3A_137 = arith.constant 0 : i32
      %parallel_loop3A_138 = arith.index_cast %parallel_loop3A_137 : i32 to index
      %parallel_loop3A_139 = arith.index_cast %parallel_loop3A_136 : i32 to index
      %parallel_loop3A_140 = tpu.vector_load %arg6[%parallel_loop3A_138, %parallel_loop3A_139] {strides = array<i32>} : memref<2x10416xi32, #tpu.memory_space<vmem>>, vector<16xi32>,
      %parallel_loop3A_141 = tpu.vector_load_idx %arg5[%parallel_loop3A_140] : memref<100xf32, #tpu.memory_space<vmem>>[vector<16xi32>], vector<16xf32>,
      %parallel_loop3A_142 = arith.constant 0 : i32
      %parallel_loop3A_143 = arith.index_cast %parallel_loop3A_142 : i32 to index
      %parallel_loop3A_144 = arith.index_cast %parallel_loop3A_136 : i32 to index
      %parallel_loop3A_145 = tpu.vector_load %arg7[%parallel_loop3A_143, %parallel_loop3A_144] {strides = array<i32>} : memref<2x10416xf32, #tpu.memory_space<vmem>>, vector<16xf32>,
      tpu.vector_store %arg7[%parallel_loop3A_143, %parallel_loop3A_144], %parallel_loop3A_141 {strides = array<i32>} : memref<2x10416xf32, #tpu.memory_space<vmem>>, vector<16xf32>,
    } {sc.loop_unroll_factor = 8 : i64, sc.parallel_access}
    %add3A_102 = arith.constant 20832 : i32
    %add3A_103 = arith.addi %mul3A_2, %add3A_102 : i32
    %dma_start3A_104 = arith.constant 0 : i32
    %dma_start3A_105 = arith.constant 0 : i32
    %dma_start3A_106 = tpu.memref_slice %arg7[%dma_start3A_104, %dma_start3A_105] : memref<2x10416xf32, #tpu.memory_space<vmem>> -> memref<1x10416xf32, #tpu.memory_space<vmem>>
    %dma_start3A_107 = tpu.memref_squeeze %dma_start3A_106 : memref<1x10416xf32, #tpu.memory_space<vmem>> -> memref<10416xf32, #tpu.memory_space<vmem>>
    %dma_start3A_108 = tpu.memref_slice %arg4[%add3A_103] : memref<1000000xf32, #tpu.memory_space<hbm>> -> memref<10416xf32, #tpu.memory_space<hbm>>
    %dma_start3A_109 = tpu.memref_slice %arg4[%add3A_103] : memref<1000000xf32, #tpu.memory_space<hbm>> -> memref<10416xf32, #tpu.memory_space<hbm>>
    %dma_start3A_110 = arith.constant 0 : i32
    %dma_start3A_111 = tpu.memref_slice %arg7[%dma_start3A_104, %dma_start3A_110] : memref<2x10416xf32, #tpu.memory_space<vmem>> -> memref<1x10416xf32, #tpu.memory_space<vmem>>
    %dma_start3A_112 = tpu.memref_squeeze %dma_start3A_111 : memref<1x10416xf32, #tpu.memory_space<vmem>> -> memref<10416xf32, #tpu.memory_space<vmem>>
    tpu.enqueue_dma source(%dma_start3A_112 : memref<10416xf32, #tpu.memory_space<vmem>>) target(%dma_start3A_109 : memref<10416xf32, #tpu.memory_space<hbm>>) target_semaphore(%arg13 : memref<!tpu.dma_semaphore, #tpu.memory_space<semaphore_mem>>)
    %eq3A_113 = arith.constant 31 : i32
    %eq3A_114 = arith.cmpi eq, %add3A, %eq3A_113 : i32
    %convert_element_type3A_115 = arith.extui %eq3A_114 : i1 to i32
    %cond3A_116 = arith.constant 0 : i32
    %cond3A_117 = arith.cmpi ne, %convert_element_type3A_115, %cond3A_116 : i32
    scf.if %cond3A_117 {
      %dma_wait3A_136 = arith.constant 999936 : i32
      %dma_wait3A_137 = tpu.memref_slice %arg2[%dma_wait3A_136] : memref<1000000xi32, #tpu.memory_space<hbm>> -> memref<64xi32, #tpu.memory_space<hbm>>
      %dma_wait3A_138 = arith.constant 999936 : i32
      %dma_wait3A_139 = tpu.memref_slice %arg2[%dma_wait3A_138] : memref<1000000xi32, #tpu.memory_space<hbm>> -> memref<64xi32, #tpu.memory_space<hbm>>
      tpu.wait_dma2 semaphore(%arg10 : memref<!tpu.dma_semaphore, #tpu.memory_space<semaphore_mem>>) src(%dma_wait3A_139 : memref<64xi32, #tpu.memory_space<hbm>>) dst(%arg8 : memref<64xi32, #tpu.memory_space<vmem>>)
      %parallel_loop3A_140 = arith.constant 0 : i32
      %parallel_loop3A_141 = arith.constant 64 : i32
      %parallel_loop3A_142 = arith.constant 16 : i32
      scf.for %parallel_loop3A_143 = %parallel_loop3A_140 to %parallel_loop3A_141 step %parallel_loop3A_142  : i32 {
        %parallel_loop3A_144 = arith.index_cast %parallel_loop3A_143 : i32 to index
        %parallel_loop3A_145 = tpu.vector_load %arg8[%parallel_loop3A_144] {strides = array<i32>} : memref<64xi32, #tpu.memory_space<vmem>>, vector<16xi32>,
        %parallel_loop3A_146 = tpu.vector_load_idx %arg5[%parallel_loop3A_145] : memref<100xf32, #tpu.memory_space<vmem>>[vector<16xi32>], vector<16xf32>,
        %parallel_loop3A_147 = arith.index_cast %parallel_loop3A_143 : i32 to index
        %parallel_loop3A_148 = tpu.vector_load %arg9[%parallel_loop3A_147] {strides = array<i32>} : memref<64xf32, #tpu.memory_space<vmem>>, vector<16xf32>,
        tpu.vector_store %arg9[%parallel_loop3A_147], %parallel_loop3A_146 {strides = array<i32>} : memref<64xf32, #tpu.memory_space<vmem>>, vector<16xf32>,
      } {sc.loop_unroll_factor = 4 : i64, sc.parallel_access}
      "tpu.region"() ({
        %run_scoped3A = tpu.sem_alloc : memref<!tpu.dma_semaphore, #tpu.memory_space<semaphore_mem>>
        %dma_start3A_143 = arith.constant 999936 : i32
        %dma_start3A_144 = tpu.memref_slice %arg4[%dma_start3A_143] : memref<1000000xf32, #tpu.memory_space<hbm>> -> memref<64xf32, #tpu.memory_space<hbm>>
        %dma_start3A_145 = arith.constant 999936 : i32
        %dma_start3A_146 = tpu.memref_slice %arg4[%dma_start3A_145] : memref<1000000xf32, #tpu.memory_space<hbm>> -> memref<64xf32, #tpu.memory_space<hbm>>
        tpu.enqueue_dma source(%arg9 : memref<64xf32, #tpu.memory_space<vmem>>) target(%dma_start3A_146 : memref<64xf32, #tpu.memory_space<hbm>>) target_semaphore(%run_scoped3A : memref<!tpu.dma_semaphore, #tpu.memory_space<semaphore_mem>>)
        %dma_wait3A_147 = arith.constant 999936 : i32
        %dma_wait3A_148 = tpu.memref_slice %arg4[%dma_wait3A_147] : memref<1000000xf32, #tpu.memory_space<hbm>> -> memref<64xf32, #tpu.memory_space<hbm>>
        %dma_wait3A_149 = arith.constant 999936 : i32
        %dma_wait3A_150 = tpu.memref_slice %arg4[%dma_wait3A_149] : memref<1000000xf32, #tpu.memory_space<hbm>> -> memref<64xf32, #tpu.memory_space<hbm>>
        tpu.wait_dma2 semaphore(%run_scoped3A : memref<!tpu.dma_semaphore, #tpu.memory_space<semaphore_mem>>) src(%arg9 : memref<64xf32, #tpu.memory_space<vmem>>) dst(%dma_wait3A_150 : memref<64xf32, #tpu.memory_space<hbm>>)
        tpu.yield
      }) : () -> ()
    } else {
    }
    %dma_wait3A_118 = arith.constant 1 : i32
    %dma_wait3A_119 = arith.constant 0 : i32
    %dma_wait3A_120 = tpu.memref_slice %arg7[%dma_wait3A_118, %dma_wait3A_119] : memref<2x10416xf32, #tpu.memory_space<vmem>> -> memref<1x10416xf32, #tpu.memory_space<vmem>>
    %dma_wait3A_121 = tpu.memref_squeeze %dma_wait3A_120 : memref<1x10416xf32, #tpu.memory_space<vmem>> -> memref<10416xf32, #tpu.memory_space<vmem>>
    %dma_wait3A_122 = tpu.memref_slice %arg4[%add3A_71] : memref<1000000xf32, #tpu.memory_space<hbm>> -> memref<10416xf32, #tpu.memory_space<hbm>>
    %dma_wait3A_123 = tpu.memref_slice %arg4[%add3A_71] : memref<1000000xf32, #tpu.memory_space<hbm>> -> memref<10416xf32, #tpu.memory_space<hbm>>
    %dma_wait3A_124 = arith.constant 0 : i32
    %dma_wait3A_125 = tpu.memref_slice %arg7[%dma_wait3A_118, %dma_wait3A_124] : memref<2x10416xf32, #tpu.memory_space<vmem>> -> memref<1x10416xf32, #tpu.memory_space<vmem>>
    %dma_wait3A_126 = tpu.memref_squeeze %dma_wait3A_125 : memref<1x10416xf32, #tpu.memory_space<vmem>> -> memref<10416xf32, #tpu.memory_space<vmem>>
    tpu.wait_dma2 semaphore(%arg14 : memref<!tpu.dma_semaphore, #tpu.memory_space<semaphore_mem>>) src(%dma_wait3A_126 : memref<10416xf32, #tpu.memory_space<vmem>>) dst(%dma_wait3A_123 : memref<10416xf32, #tpu.memory_space<hbm>>)
    %dma_wait3A_127 = arith.constant 0 : i32
    %dma_wait3A_128 = arith.constant 0 : i32
    %dma_wait3A_129 = tpu.memref_slice %arg7[%dma_wait3A_127, %dma_wait3A_128] : memref<2x10416xf32, #tpu.memory_space<vmem>> -> memref<1x10416xf32, #tpu.memory_space<vmem>>
    %dma_wait3A_130 = tpu.memref_squeeze %dma_wait3A_129 : memref<1x10416xf32, #tpu.memory_space<vmem>> -> memref<10416xf32, #tpu.memory_space<vmem>>
    %dma_wait3A_131 = tpu.memref_slice %arg4[%add3A_103] : memref<1000000xf32, #tpu.memory_space<hbm>> -> memref<10416xf32, #tpu.memory_space<hbm>>
    %dma_wait3A_132 = tpu.memref_slice %arg4[%add3A_103] : memref<1000000xf32, #tpu.memory_space<hbm>> -> memref<10416xf32, #tpu.memory_space<hbm>>
    %dma_wait3A_133 = arith.constant 0 : i32
    %dma_wait3A_134 = tpu.memref_slice %arg7[%dma_wait3A_127, %dma_wait3A_133] : memref<2x10416xf32, #tpu.memory_space<vmem>> -> memref<1x10416xf32, #tpu.memory_space<vmem>>
    %dma_wait3A_135 = tpu.memref_squeeze %dma_wait3A_134 : memref<1x10416xf32, #tpu.memory_space<vmem>> -> memref<10416xf32, #tpu.memory_space<vmem>>
    tpu.wait_dma2 semaphore(%arg13 : memref<!tpu.dma_semaphore, #tpu.memory_space<semaphore_mem>>) src(%dma_wait3A_135 : memref<10416xf32, #tpu.memory_space<vmem>>) dst(%dma_wait3A_132 : memref<10416xf32, #tpu.memory_space<hbm>>)
    return
  }
}

</mosaic_0001>

<sc_bundles>
// kernel: kernel.3.cloned.1.call-start
scs
__scs_entry_jumppad:
0x0: {  	(pc) =	sbr.rel $0x88, $3  }
0x1: {  	(tag) =	ssettag $0x0;
	lr =	simm.s32 $0x1  }
0x2: {  	[smem:$0x3F9E] =	sst lr;
	_ =	strace $0xD0000000  }
0x3: {  	_ = 	snop  }
0x4: {  	_ = 	snop  }
0x5: {  	_ = 	snop  }
0x6: {  	_ = 	snop  }
0x7: {  	_ = 	snop  }
__scs_overlays_trampoline_lowered:
0x8: {  	[smem:$0x3FAD] =	sst s0  }
0x9: {  	[smem:$0x3FAE] =	sst s1  }
0xa: {  	[smem:$0x3FAF] =	sst s2  }
0xb: {  	[smem:$0x3FB0] =	sst s3  }
0xc: {  	[smem:$0x3FB1] =	sst s4  }
0xd: {  	[smem:$0x3FB2] =	sst s5  }
0xe: {  	[smem:$0x3FB3] =	sst s6  }
0xf: {  	[smem:$0x3FB4] =	sst s7  }
0x10: {  	[smem:$0x3FB5] =	sst s8  }
0x11: {  	[smem:$0x3FB6] =	sst s9;
	s0 =	simm.s32 @!p0 $0x0  }
0x12: {  	s1 =	sld [smem:$0x3F9C];
	s0 =	simm.s32 @p0 $0x1  }
0x13: {  	[smem:$0x3FB7] =	sst s0;
	s0 =	simm.s32 @!p1 $0x0  }
0x14: {  	s2 =	sld [smem:$0x3F9B];
	s0 =	simm.s32 @p1 $0x1  }
0x15: {  	[smem:$0x3FB8] =	sst s0;
	s0 =	simm.s32 @!p2 $0x0  }
0x16: {  	s3 =	sld [smem:$0x3FDB];
	s0 =	simm.s32 @p2 $0x1  }
0x17: {  	s4 =	simm.s32 $0x1BF5;
	[smem:$0x3FBA] =	sst s0  }
0x18: {  	s0 =	sld [smem:$0x3F9D];
	_ =	swait.ge [sflag:s4], $0x0  }
0x19: {  	s7 =	sld [smem:$0x3F9E]  }
0x1a: {  	s8 =	sadd.s32 $0xFFFFE003, lr  }
0x1b: {  	s9 =	sadd.s32 $0xFFFFFEF7, lr;
	s5 =	simm.s32 $0xFFFFFFFF;
	p2 =	slt.u32 s8, $0xFFFFF086  }
0x1c: {  	p1 =	slt.u32 s9, $0xF7A;
	s5 =	simm.s32 @!p2 $0x0  }
0x1d: {  	s5 =	simm.s32 @p1 $0x1;
	p0 =	seq.s32 s7, s2  }
0x1e: {  	s7 =	smul.u32 @!p0 $0xF7A, s2;
	p2 =	seq.s32 @!p0 s5, $0x0  }
0x1f: {  	s9 =	smul.u32 $0xF7A, s1;
	s8 =	simm.s32 @!p0 $0x1BF5;
	p2 =	por !p2, p0  }
0x20: {  	[sflag:s8] =	ssyncset.s32 @!p0 $0xFFFFF086;
	s6 =	sadd.s32 @!p0 s3, s7;
	s7 =	simm.s32 @!p0 $0x108  }
0x21: {  	s3 =	sadd.s32 s3, s9;
	s6 =	sadd.s32 @!p0 $0x88, s6;
	s7 =	simm.s32 @p2 $0x1082  }
0x22: {  	[simem:s7], [sflag:s8] =	dma.local @!p0 [hbm:s6], $0xF7A  }
0x23: {  	s9 =	sor.u32 $0xD0000000, s2;
	s6 =	simm.s32 $0x108;
	_ =	swait.ge @!p0 [sflag:s8], $0x0  }
0x24: {  	s3 =	sadd.s32 $0x88, s3;
	s6 =	simm.s32 @!p1 $0x1082;
	[sflag:s4] =	ssyncset.s32 $0xFFFFF086  }
0x25: {  	[simem:s6], [sflag:s4] =	dma.local [hbm:s3], $0xF7A  }
0x26: {  	[smem:$0x3F9E] =	sst s1;
	(tag) =	ssettag s2;
	_ =	strace s9  }
0x27: {  	s1 =	sld [smem:$0x3FAE]  }
0x28: {  	s2 =	sld [smem:$0x3FAF]  }
0x29: {  	s4 =	sld [smem:$0x3FB1]  }
0x2a: {  	p0 =	seq.s32 s5, $0x0;
	s5 =	sld [smem:$0x3FB2]  }
0x2b: {  	s6 =	sld [smem:$0x3FB3]  }
0x2c: {  	s7 =	sld [smem:$0x3FB4]  }
0x2d: {  	s3 =	simm.s32 $0x108;
	s8 =	sld [smem:$0x3FB5]  }
0x2e: {  	s3 =	simm.s32 @!p0 $0x1082;
	s9 =	sld [smem:$0x3FB6]  }
0x2f: {  	lr =	sadd.s32 s0, s3;
	s0 =	sld [smem:$0x3FAD]  }
0x30: {  	s3 =	sld [smem:$0x3FB0]  }
0x31: {  	[smem:$0x3FB9] =	sst s10  }
0x32: {  	s10 =	sld [smem:$0x3FB7];
	_ =	sdelay $0x3  }
0x33: {  	p0 =	seq.s32 s10, $0x1;
	s10 =	sld [smem:$0x3FB9];
	_ =	sdelay $0x3  }
0x34: {  	[smem:$0x3FB9] =	sst s10  }
0x35: {  	s10 =	sld [smem:$0x3FB8];
	_ =	sdelay $0x3  }
0x36: {  	p1 =	seq.s32 s10, $0x1;
	s10 =	sld [smem:$0x3FB9];
	_ =	sdelay $0x3  }
0x37: {  	[smem:$0x3FB9] =	sst s10  }
0x38: {  	s10 =	sld [smem:$0x3FBA]  }
0x39: {  	_ = 	snop;
	(pc) =	sbr.ind lr, $3  }
0x3a: {  	_ = 	snop  }
0x3b: {  	_ = 	snop  }
0x3c: {  	p2 =	seq.s32 s10, $0x1;
	s10 =	sld [smem:$0x3FB9]  }
0x3d: {  	_ =	shalt  }
0x3e: {  	_ =	shalt  }
0x3f: {  	_ =	shalt  }
0x40: {  	_ =	shalt  }
0x41: {  	_ =	shalt  }
0x42: {  	_ =	shalt  }
0x43: {  	_ =	shalt  }
0x44: {  	_ =	shalt  }
0x45: {  	_ =	shalt  }
0x46: {  	_ =	shalt  }
0x47: {  	_ =	shalt  }
0x48: {  	_ =	shalt  }
0x49: {  	_ =	shalt  }
0x4a: {  	_ =	shalt  }
0x4b: {  	_ =	shalt  }
0x4c: {  	_ =	shalt  }
0x4d: {  	_ =	shalt  }
0x4e: {  	_ =	shalt  }
0x4f: {  	_ =	shalt  }
0x50: {  	_ =	shalt  }
0x51: {  	_ =	shalt  }
0x52: {  	_ =	shalt  }
0x53: {  	_ =	shalt  }
0x54: {  	_ =	shalt  }
0x55: {  	_ =	shalt  }
0x56: {  	_ =	shalt  }
0x57: {  	_ =	shalt  }
0x58: {  	_ =	shalt  }
0x59: {  	_ =	shalt  }
0x5a: {  	_ =	shalt  }
0x5b: {  	_ =	shalt  }
0x5c: {  	_ =	shalt  }
0x5d: {  	_ =	shalt  }
0x5e: {  	_ =	shalt  }
0x5f: {  	_ =	shalt  }
0x60: {  	_ =	shalt  }
0x61: {  	_ =	shalt  }
0x62: {  	_ =	shalt  }
0x63: {  	_ =	shalt  }
0x64: {  	_ =	shalt  }
0x65: {  	_ =	shalt  }
0x66: {  	_ =	shalt  }
0x67: {  	_ =	shalt  }
0x68: {  	_ =	shalt  }
0x69: {  	_ =	shalt  }
0x6a: {  	_ =	shalt  }
0x6b: {  	_ =	shalt  }
0x6c: {  	_ =	shalt  }
0x6d: {  	_ =	shalt  }
0x6e: {  	_ =	shalt  }
0x6f: {  	_ =	shalt  }
0x70: {  	_ =	shalt  }
0x71: {  	_ =	shalt  }
0x72: {  	_ =	shalt  }
0x73: {  	_ =	shalt  }
0x74: {  	_ =	shalt  }
0x75: {  	_ =	shalt  }
0x76: {  	_ =	shalt  }
0x77: {  	_ =	shalt  }
0x78: {  	_ =	shalt  }
0x79: {  	_ =	shalt  }
0x7a: {  	_ =	shalt  }
0x7b: {  	_ =	shalt  }
0x7c: {  	_ =	shalt  }
0x7d: {  	_ =	shalt  }
0x7e: {  	_ =	shalt  }
0x7f: {  	_ =	shalt  }
0x80: {  	_ =	shalt  }
0x81: {  	_ =	shalt  }
0x82: {  	_ =	shalt  }
0x83: {  	_ =	shalt  }
0x84: {  	_ =	shalt  }
0x85: {  	_ =	shalt  }
0x86: {  	_ =	shalt  }
0x87: {  	_ =	shalt  }
.Lfunc_end0:
.L_simem_size_0:
called_computation_lowered:
.L_overlay_start_0:
0x88: {  	s2 =	sld [smem:$0x3FD9]  }
0x89: {  	s3 =	sld [smem:$0x3FFE];
	_ =	sdelay $0x1  }
0x8a: {  	s1 =	srdreg.scid  }
0x8b: {  	s0 =	sand.u32 $0x1, s1  }
0x8c: {  	s17 =	sshll.u32 s0, $0xA;
	s2 =	sadd.s32 s3, s2  }
0x8d: {  	s2 =	sadd.s32 s2, s17  }
0x8e: {  	[smem:$0x3FC5] =	sst s2  }
0x8f: {  	_ = 	snop  }
0x90: {  	s2 =	sld [smem:$0x3FC8]  }
0x91: {  	s18 =	sld [smem:$0x3FC7];
	(tm) =	ssettm $0x1  }
0x92: {  	s4 =	sld [smem:$0x3FFB];
	_ =	sdelay $0x3  }
0x93: {  	_ =	strace s4  }
0x94: {  	s4 =	sld [smem:$0x3FFC];
	_ =	sdelay $0x3  }
0x95: {  	_ =	strace s4  }
0x96: {  	s4 =	sld [smem:$0x3FFD];
	_ =	sdelay $0x3  }
0x97: {  	_ =	strace s4  }
0x98: {  	_ =	strace $0x8FFFFFFF  }
0x99: {  	s19 =	sld [smem:$0x3FDB];
	_ =	sdelay $0x1  }
0x9a: {  	s5 =	simm.s32 $_scs_section_size  }
0x9b: {  	s6 =	simm.s32 $_size__tile_overlayer_lowered;
	s7 =	simm.s32 $_tile_overlayer_lowered  }
0x9c: {  	s22 =	simm.s32 $0x1BFF;
	s21 =	sshll.u32 s7, $0x1;
	s4 =	sadd.s32 s5, s19  }
0x9d: {  	s8 =	simm.s32 $0x0;
	s20 =	sshll.u32 s6, $0x1;
	s6 =	sadd.s32 s21, s4  }
0x9e: {  	[timem:s8], [sflag:s22] =	dma.local [hbm:s6], s20  }
0x9f: {  	_ =	swait.ge [sflag:s22], s20  }
0xa0: {  	s5 =	ssub.s32 $0x0, s20;
	[sflag:s22] =	ssyncset.done $0x0  }
0xa1: {  	[sflag:s22] =	ssyncadd.s32 s5;
	_ =	sdelay $0x1  }
0xa2: {  	s23 =	simm.s32 $0x1B8B  }
0xa3: {  	_ =	swait.ge [sflag:s23], $0x1  }
0xa4: {  	[sflag:s23] =	ssyncset.done $0x0  }
0xa5: {  	s25 =	simm.s32 $0x1B8E;
	s24 =	sld [smem:$0x3FFE];
	[sflag:s23] =	ssyncadd.s32 $0xFFFFFFFF  }
0xa6: {  	s26 =	simm.s32 $execute0_lowered;
	[smem:$0x3FD2] =	sst s25  }
0xa7: {  	s6 =	sshll.u32 s26, $0x1;
	_ =	strace $0x80000046;
	[dreg:$0x1] =	wrdreg $0xFFFFFFFF  }
0xa8: {  	s28 =	simm.s32 $_size_execute0_lowered;
	s4 =	sadd.s32 s4, s6;
	[dreg:$0x0] =	wrdreg $0x0  }
0xa9: {  	s6 =	sshll.u32 s28, $0x1;
	[dreg:$0x2] =	wrdreg s4  }
0xaa: {  	[dreg:$0x3] =	wrdreg s6  }
0xab: {  	[dreg:$0x4] =	wrdreg $0xC0  }
0xac: {  	_ =	task [dreg:s8], $0x5FFFF  }
0xad: {  	[dreg:$0x1] =	wrdreg $0xFFFFFFFF  }
0xae: {  	[dreg:$0x0] =	wrdreg $0x60  }
0xaf: {  	[dreg:$0x2] =	wrdreg s2  }
0xb0: {  	[dreg:$0x3] =	wrdreg s18  }
0xb1: {  	[dreg:$0x4] =	wrdreg s24  }
0xb2: {  	[dreg:$0x5] =	wrdreg $0x9  }
0xb3: {  	_ =	task.clear_ibuf [dreg:s8], $0x6FFFF;
	_ =	strace $0x90000046  }
0xb4: {  	s29 =	simm.s32 $0x9;
	_ =	strace $0x80000048  }
0xb5: {  	_ =	swait.ge [sflag:s29], $0x1  }
0xb6: {  	[sflag:s29] =	ssyncadd.s32 $0xFFFFFFFF  }
0xb7: {  	_ =	strace $0x90000048  }
0xb8: {  	_ =	sfence  }
0xb9: {  	s30 =	sld [smem:$0x0];
	_ =	sdelay $0x2  }
0xba: {  	s31 =	sshll.u32 s1, $0xD;
	s1 =	sshrl.u32 s1, $0x2  }
0xbb: {  	s3 =	sand.u32 $0x4000, s31;
	s1 =	sadd.s32 s1, s30  }
0xbc: {  	s0 =	sor.u32 s3, s0;
	s1 =	sshll.u32 s1, $0x11  }
0xbd: {  	s0 =	sor.u32 s1, s0  }
0xbe: {  	s0 =	sadd.s32 $0x8F2B, s0  }
0xbf: {  	[sflag:s0] =	ssyncadd.remote.s32 $0x1  }
0xc0: {  	_ =	sfence.sel $0xFFFF  }
0xc1: {  	[dreg:$0x0] =	wrdreg $0xFFFFFFFF;
	(pc) =	sbr.abs _section_cstart, $3  }
0xc2: {  	[dreg:$0x1] =	wrdreg $0xFFFFFFFF  }
0xc3: {  	_ =	task.clear_ibuf [dreg:s8], $0x2FFFF;
	_ =	strace $0x9FFFFFFF  }
0xc4: {  	(tm) =	ssettm $0x7FFFFFFF  }
0xc5: {  	_ =	shalt  }
tec
execute0_lowered:
.L_overlay_start_1:
0x0: {  	(tag) =	ssettag $0x1  }
0x1: {  	s8 =	rddreg [dreg:$0x0];
	s1 =	srdreg.scid  }
0x2: {  	s0 =	stileid.u32;
	s2 =	rddreg [dreg:$0x1]  }
0x3: {  	s11 =	rddreg [dreg:$0x2];
	s3 =	simm.s32 $0x0;
	s15 =	simm.s32 $0x1  }
0x4: {  	s16 =	simm.s32 $0x2;
	s17 =	simm.s32 $0x51C8;
	s18 =	simm.s32 $0x3  }
0x5: {  	s19 =	simm.s32 $0x7A78;
	s20 =	simm.s32 $0x4;
	s21 =	simm.s32 $0x5  }
0x6: {  	s22 =	simm.s32 $0x0;
	s4 =	sand.u32 $0x1, s1;
	s1 =	rddreg [dreg:$0x3]  }
0x7: {  	s31 =	sshll.u32 s0, $0x1;
	[smem:$0x7FF] =	sst s3;
	s10 =	sadd.s32 $0x600, s11  }
0x8: {  	s11 =	sadd.s32 $0x1EE40, s11;
	s13 =	sor.u32 s4, s31;
	s4 =	ssub.s32 $0x2, s4  }
0x9: {  	_ =	strace $0x80000047;
	s5 =	smul.u32 $0x7A10, s13;
	s6 =	sshrl.u32 s4, $0x1  }
0xa: {  	p0 =	sne.s32 s13, $0x1F;
	s13 =	simm.s32 $0x68;
	s12 =	ssub.s32 s4, s6  }
0xb: {  	s6 =	sadd.s32 $0x1E840, s8;
	s7 =	sshrl.u32 s5, $0x3;
	s12 =	smax.u32 s12, $0x1  }
0xc: {  	s9 =	sadd.s32 $0x516, s7;
	s4 =	sadd.s32 s8, s7;
	s14 =	sadd.s32 $0xA2C, s7  }
0xd: {  	s7 =	sadd.s32 s10, s7;
	s5 =	sadd.s32 s8, s9;
	s8 =	sadd.s32 s8, s14  }
0xe: {  	s9 =	sadd.s32 s10, s9;
	s10 =	sadd.s32 s10, s14;
	s14 =	simm.s32 $0x2918  }
.LBB2_1:
0xf: {  	[tilespmem:s3], [sflag:$0x1] =	stream.linear.gather [hbm4b:s2+s3], $0x68, $0x38;
	[tilespmem:$0xA3A8] =	vst v63  }
0x10: {  	_ = 	snop  }
0x11: {  	[tilespmem:s13], [sflag:$0x2] =	stream.linear.gather [hbm4b:s4+s3], $0x28B0, $0x38;
	[tilespmem:$0xA3A8] =	vst v63  }
0x12: {  	_ = 	snop  }
0x13: {  	[tilespmem:s14], [sflag:$0x3] =	stream.linear.gather [hbm4b:s5+s3], $0x28B0, $0x38;
	[tilespmem:$0xA3A8] =	vst v63  }
0x14: {  	_ =	swait.ge [sflag:s15], $0x68  }
0x15: {  	[sflag:s15] =	ssyncset.done $0x0  }
0x16: {  	s23 =	simm.s32 @!p0 $0x0;
	s24 =	simm.s32 @!p0 $0xA328;
	[sflag:s15] =	ssyncadd.s32 $0xFFFFFF98  }
0x17: {  	[tilespmem:s24], [sflag:$0x1] =	stream.linear.gather @!p0 [hbm4b:s6+s23], $0x40, $0x38;
	[tilespmem:$0xA3A8] =	vst v63  }
0x18: {  	_ =	swait.ge [sflag:s16], $0x28B0  }
0x19: {  	[sflag:s16] =	ssyncset.done $0x0  }
0x1a: {  	s31 =	simm.s32 $0xA8;
	[sflag:s16] =	ssyncadd.s32 $0xFFFFD750  }
0x1b: {  	v0 =	vld [tilespmem:s31+$0x30]  }
0x1c: {  	v1 =	vld [tilespmem:s31+$0xFFFFFFD0]  }
0x1d: {  	v2 =	vld [tilespmem:s31+$0xFFFFFFE0]  }
0x1e: {  	v3 =	vld [tilespmem:s31+$0xFFFFFFF0]  }
0x1f: {  	v5 =	vld [tilespmem:s31+$0x0]  }
0x20: {  	v6 =	vld [tilespmem:s31+$0x10]  }
0x21: {  	v7 =	vld [tilespmem:s31+$0x20]  }
0x22: {  	v8 =	vld [tilespmem:s31+$0xFFFFFFC0]  }
0x23: {  	v9 =	vld.idx.msk [tilespmem:v0+s3+$0x0], $0xffff  }
0x24: {  	v10 =	vld.idx.msk [tilespmem:v1+s3+$0x0], $0xffff  }
0x25: {  	v4 =	vld.idx.msk [tilespmem:v2+s3+$0x0], $0xffff  }
0x26: {  	v2 =	vld.idx.msk [tilespmem:v3+s3+$0x0], $0xffff  }
0x27: {  	v0 =	vld.idx.msk [tilespmem:v5+s3+$0x0], $0xffff  }
0x28: {  	s26 =	simm.s32 $0x5208;
	v1 =	vld.idx.msk [tilespmem:v6+s3+$0x0], $0xffff  }
0x29: {  	s28 =	simm.s32 $0x0;
	s25 =	simm.s32 $0x28E8;
	v3 =	vld.idx.msk [tilespmem:v7+s3+$0x0], $0xffff;
	[tilespmem:s26+$0x30] =	vst v9  }
0x2a: {  	s29 =	simm.s32 $0x128;
	s23 =	simm.s32 $0x2870;
	s24 =	simm.s32 $0x7A48;
	v5 =	vld.idx.msk [tilespmem:v8+s3+$0x0], $0xffff;
	[tilespmem:s26+$0xFFFFFFD0] =	vst v10  }
.LBB2_2:
0x2b: {  	v6 =	vld [tilespmem:s29+$0x30];
	s28 =	sadd.s32 $0x80, s28;
	[tilespmem:s26+$0xFFFFFFE0] =	vst v4  }
0x2c: {  	v4 =	vld [tilespmem:s29+$0xFFFFFFD0];
	p1 =	slt.u32 s28, $0x2800;
	[tilespmem:s26+$0xFFFFFFF0] =	vst v2  }
0x2d: {  	v2 =	vld [tilespmem:s29+$0xFFFFFFE0];
	[tilespmem:s26+$0x0] =	vst v0  }
0x2e: {  	v0 =	vld [tilespmem:s29+$0xFFFFFFF0];
	[tilespmem:s26+$0x10] =	vst v1  }
0x2f: {  	v1 =	vld [tilespmem:s29+$0x0];
	[tilespmem:s26+$0x20] =	vst v3  }
0x30: {  	v3 =	vld [tilespmem:s29+$0x10];
	[tilespmem:s26+$0xFFFFFFC0] =	vst v5  }
0x31: {  	v5 =	vld [tilespmem:s29+$0x20]  }
0x32: {  	v7 =	vld [tilespmem:s29+$0xFFFFFFC0]  }
0x33: {  	v6 =	vld.idx.msk [tilespmem:v6+s3+$0x0], $0xffff  }
0x34: {  	v8 =	vld.idx.msk [tilespmem:v4+s3+$0x0], $0xffff  }
0x35: {  	v4 =	vld.idx.msk [tilespmem:v2+s3+$0x0], $0xffff  }
.Ltmp0:
0x36: {  	v2 =	vld.idx.msk [tilespmem:v0+s3+$0x0], $0xffff;
	(pc) =	sbr.rel @p1 .LBB2_2-.Ltmp0, $4  }
0x37: {  	v0 =	vld.idx.msk [tilespmem:v1+s3+$0x0], $0xffff  }
0x38: {  	s26 =	sadd.s32 $0x80, s26;
	v1 =	vld.idx.msk [tilespmem:v3+s3+$0x0], $0xffff  }
0x39: {  	v3 =	vld.idx.msk [tilespmem:v5+s3+$0x0], $0xffff;
	[tilespmem:s26+$0x30] =	vst v6  }
0x3a: {  	s29 =	sadd.s32 $0x80, s29;
	v5 =	vld.idx.msk [tilespmem:v7+s3+$0x0], $0xffff;
	[tilespmem:s26+$0xFFFFFFD0] =	vst v8  }
0x3b: {  	[tilespmem:s26+$0xFFFFFFE0] =	vst v4  }
0x3c: {  	[tilespmem:s26+$0xFFFFFFF0] =	vst v2  }
0x3d: {  	[tilespmem:s26+$0x0] =	vst v0  }
0x3e: {  	[tilespmem:s26+$0x10] =	vst v1  }
0x3f: {  	[tilespmem:s26+$0x20] =	vst v3  }
0x40: {  	[tilespmem:s26+$0xFFFFFFC0] =	vst v5  }
.LBB2_4:
0x41: {  	v0 =	vld [tilespmem:s25+$0x0];
	_ =	sdelay $0x6  }
0x42: {  	s23 =	sadd.s32 $0x10, s23  }
0x43: {  	p1 =	slt.u32 s23, $0x28A0;
	v0 =	vld.idx.msk [tilespmem:v0+s3+$0x0], $0xffff  }
.Ltmp1:
0x44: {  	_ = 	snop;
	(pc) =	sbr.rel @p1 .LBB2_4-.Ltmp1, $2  }
0x45: {  	_ =	sdelay $0x2  }
0x46: {  	s25 =	sadd.s32 $0x10, s25;
	[tilespmem:s24+$0x0] =	vst v0;
	s24 =	sadd.s32 $0x10, s24  }
0x47: {  	[hbm4b:s7+s3] =	stream.linear.scatter [tilespmem:s17], [sflag:$0x4], $0x28B0, $0x38;
	[tilespmem:$0xA3A8] =	vst v63  }
0x48: {  	_ = 	snop  }
0x49: {  	[tilespmem:s13], [sflag:$0x2] =	stream.linear.gather [hbm4b:s8+s3], $0x28B0, $0x38;
	[tilespmem:$0xA3A8] =	vst v63  }
0x4a: {  	_ =	swait.ge [sflag:s18], $0x28B0  }
0x4b: {  	[sflag:s18] =	ssyncset.done $0x0  }
0x4c: {  	s23 =	simm.s32 $0x2988;
	[sflag:s18] =	ssyncadd.s32 $0xFFFFD750  }
0x4d: {  	v0 =	vld [tilespmem:s23+$0x0]  }
0x4e: {  	v1 =	vld [tilespmem:s23+$0xFFFFFFA0]  }
0x4f: {  	v2 =	vld [tilespmem:s23+$0xFFFFFFB0]  }
0x50: {  	v3 =	vld [tilespmem:s23+$0xFFFFFFC0]  }
0x51: {  	v5 =	vld [tilespmem:s23+$0xFFFFFFD0]  }
0x52: {  	v6 =	vld [tilespmem:s23+$0xFFFFFFE0]  }
0x53: {  	v7 =	vld [tilespmem:s23+$0xFFFFFFF0]  }
0x54: {  	v8 =	vld [tilespmem:s23+$0xFFFFFF90]  }
0x55: {  	v9 =	vld.idx.msk [tilespmem:v0+s3+$0x0], $0xffff  }
0x56: {  	v10 =	vld.idx.msk [tilespmem:v1+s3+$0x0], $0xffff  }
0x57: {  	v4 =	vld.idx.msk [tilespmem:v2+s3+$0x0], $0xffff  }
0x58: {  	v2 =	vld.idx.msk [tilespmem:v3+s3+$0x0], $0xffff  }
0x59: {  	v0 =	vld.idx.msk [tilespmem:v5+s3+$0x0], $0xffff  }
0x5a: {  	s25 =	simm.s32 $0x7AE8;
	v1 =	vld.idx.msk [tilespmem:v6+s3+$0x0], $0xffff  }
0x5b: {  	s26 =	simm.s32 $0x0;
	v3 =	vld.idx.msk [tilespmem:v7+s3+$0x0], $0xffff;
	[tilespmem:s25+$0x0] =	vst v9  }
0x5c: {  	s24 =	simm.s32 $0xA2F8;
	s28 =	simm.s32 $0x2A08;
	s23 =	simm.s32 $0x5198;
	v5 =	vld.idx.msk [tilespmem:v8+s3+$0x0], $0xffff;
	[tilespmem:s25+$0xFFFFFFA0] =	vst v10  }
.LBB2_6:
0x5d: {  	v6 =	vld [tilespmem:s28+$0x0];
	s26 =	sadd.s32 $0x80, s26;
	[tilespmem:s25+$0xFFFFFFB0] =	vst v4  }
0x5e: {  	v4 =	vld [tilespmem:s28+$0xFFFFFFA0];
	p1 =	slt.u32 s26, $0x2800;
	[tilespmem:s25+$0xFFFFFFC0] =	vst v2  }
0x5f: {  	v2 =	vld [tilespmem:s28+$0xFFFFFFB0];
	[tilespmem:s25+$0xFFFFFFD0] =	vst v0  }
0x60: {  	v0 =	vld [tilespmem:s28+$0xFFFFFFC0];
	[tilespmem:s25+$0xFFFFFFE0] =	vst v1  }
0x61: {  	v1 =	vld [tilespmem:s28+$0xFFFFFFD0];
	[tilespmem:s25+$0xFFFFFFF0] =	vst v3  }
0x62: {  	v3 =	vld [tilespmem:s28+$0xFFFFFFE0];
	[tilespmem:s25+$0xFFFFFF90] =	vst v5  }
0x63: {  	v5 =	vld [tilespmem:s28+$0xFFFFFFF0]  }
0x64: {  	v7 =	vld [tilespmem:s28+$0xFFFFFF90]  }
0x65: {  	v6 =	vld.idx.msk [tilespmem:v6+s3+$0x0], $0xffff  }
0x66: {  	v8 =	vld.idx.msk [tilespmem:v4+s3+$0x0], $0xffff  }
0x67: {  	v4 =	vld.idx.msk [tilespmem:v2+s3+$0x0], $0xffff  }
.Ltmp2:
0x68: {  	v2 =	vld.idx.msk [tilespmem:v0+s3+$0x0], $0xffff;
	(pc) =	sbr.rel @p1 .LBB2_6-.Ltmp2, $4  }
0x69: {  	v0 =	vld.idx.msk [tilespmem:v1+s3+$0x0], $0xffff  }
0x6a: {  	s25 =	sadd.s32 $0x80, s25;
	v1 =	vld.idx.msk [tilespmem:v3+s3+$0x0], $0xffff  }
0x6b: {  	s29 =	simm.s32 $0x2870;
	v3 =	vld.idx.msk [tilespmem:v5+s3+$0x0], $0xffff;
	[tilespmem:s25+$0x0] =	vst v6  }
0x6c: {  	s28 =	sadd.s32 $0x80, s28;
	v5 =	vld.idx.msk [tilespmem:v7+s3+$0x0], $0xffff;
	[tilespmem:s25+$0xFFFFFFA0] =	vst v8  }
0x6d: {  	[tilespmem:s25+$0xFFFFFFB0] =	vst v4  }
0x6e: {  	[tilespmem:s25+$0xFFFFFFC0] =	vst v2  }
0x6f: {  	[tilespmem:s25+$0xFFFFFFD0] =	vst v0  }
0x70: {  	[tilespmem:s25+$0xFFFFFFE0] =	vst v1  }
0x71: {  	[tilespmem:s25+$0xFFFFFFF0] =	vst v3  }
0x72: {  	[tilespmem:s25+$0xFFFFFF90] =	vst v5  }
.LBB2_8:
0x73: {  	v0 =	vld [tilespmem:s23+$0x0];
	_ =	sdelay $0x6  }
0x74: {  	s29 =	sadd.s32 $0x10, s29  }
0x75: {  	p1 =	slt.u32 s29, $0x28A0;
	v0 =	vld.idx.msk [tilespmem:v0+s3+$0x0], $0xffff  }
.Ltmp3:
0x76: {  	_ = 	snop;
	(pc) =	sbr.rel @p1 .LBB2_8-.Ltmp3, $2  }
0x77: {  	_ =	sdelay $0x2  }
0x78: {  	s23 =	sadd.s32 $0x10, s23;
	[tilespmem:s24+$0x0] =	vst v0;
	s24 =	sadd.s32 $0x10, s24  }
0x79: {  	[hbm4b:s9+s3] =	stream.linear.scatter [tilespmem:s19], [sflag:$0x5], $0x28B0, $0x38;
	[tilespmem:$0xA3A8] =	vst v63  }
0x7a: {  	_ =	swait.ge [sflag:s16], $0x28B0  }
0x7b: {  	[sflag:s16] =	ssyncset.done $0x0  }
0x7c: {  	[sflag:s16] =	ssyncadd.s32 $0xFFFFD750  }
0x7d: {  	_ =	swait.ge [sflag:s20], $0x28B0  }
0x7e: {  	[sflag:s20] =	ssyncset.done $0x0  }
0x7f: {  	s23 =	simm.s32 $0xA8;
	[sflag:s20] =	ssyncadd.s32 $0xFFFFD750  }
0x80: {  	v0 =	vld [tilespmem:s23+$0x30]  }
0x81: {  	v1 =	vld [tilespmem:s23+$0xFFFFFFD0]  }
0x82: {  	v2 =	vld [tilespmem:s23+$0xFFFFFFE0]  }
0x83: {  	v3 =	vld [tilespmem:s23+$0xFFFFFFF0]  }
0x84: {  	v5 =	vld [tilespmem:s23+$0x0]  }
0x85: {  	v6 =	vld [tilespmem:s23+$0x10]  }
0x86: {  	v7 =	vld [tilespmem:s23+$0x20]  }
0x87: {  	v8 =	vld [tilespmem:s23+$0xFFFFFFC0]  }
0x88: {  	v9 =	vld.idx.msk [tilespmem:v0+s3+$0x0], $0xffff  }
0x89: {  	v10 =	vld.idx.msk [tilespmem:v1+s3+$0x0], $0xffff  }
0x8a: {  	v4 =	vld.idx.msk [tilespmem:v2+s3+$0x0], $0xffff  }
0x8b: {  	v3 =	vld.idx.msk [tilespmem:v3+s3+$0x0], $0xffff  }
0x8c: {  	v0 =	vld.idx.msk [tilespmem:v5+s3+$0x0], $0xffff  }
0x8d: {  	s23 =	simm.s32 $0x5208;
	v1 =	vld.idx.msk [tilespmem:v6+s3+$0x0], $0xffff  }
0x8e: {  	v2 =	vld.idx.msk [tilespmem:v7+s3+$0x0], $0xffff;
	[tilespmem:s23+$0x30] =	vst v9  }
0x8f: {  	s24 =	simm.s32 $0x0;
	s25 =	simm.s32 $0x128;
	v5 =	vld.idx.msk [tilespmem:v8+s3+$0x0], $0xffff;
	[tilespmem:s23+$0xFFFFFFD0] =	vst v10  }
.LBB2_10:
0x90: {  	v6 =	vld [tilespmem:s25+$0x30];
	s24 =	sadd.s32 $0x80, s24;
	[tilespmem:s23+$0xFFFFFFE0] =	vst v4  }
0x91: {  	v4 =	vld [tilespmem:s25+$0xFFFFFFD0];
	p1 =	slt.u32 s24, $0x2800;
	[tilespmem:s23+$0xFFFFFFF0] =	vst v3  }
0x92: {  	v3 =	vld [tilespmem:s25+$0xFFFFFFE0];
	[tilespmem:s23+$0x0] =	vst v0  }
0x93: {  	v0 =	vld [tilespmem:s25+$0xFFFFFFF0];
	[tilespmem:s23+$0x10] =	vst v1  }
0x94: {  	v1 =	vld [tilespmem:s25+$0x0];
	[tilespmem:s23+$0x20] =	vst v2  }
0x95: {  	v2 =	vld [tilespmem:s25+$0x10];
	[tilespmem:s23+$0xFFFFFFC0] =	vst v5  }
0x96: {  	v5 =	vld [tilespmem:s25+$0x20]  }
0x97: {  	v7 =	vld [tilespmem:s25+$0xFFFFFFC0]  }
0x98: {  	v6 =	vld.idx.msk [tilespmem:v6+s3+$0x0], $0xffff  }
0x99: {  	v8 =	vld.idx.msk [tilespmem:v4+s3+$0x0], $0xffff  }
0x9a: {  	v4 =	vld.idx.msk [tilespmem:v3+s3+$0x0], $0xffff  }
.Ltmp4:
0x9b: {  	v3 =	vld.idx.msk [tilespmem:v0+s3+$0x0], $0xffff;
	(pc) =	sbr.rel @p1 .LBB2_10-.Ltmp4, $4  }
0x9c: {  	v0 =	vld.idx.msk [tilespmem:v1+s3+$0x0], $0xffff  }
0x9d: {  	s23 =	sadd.s32 $0x80, s23;
	v1 =	vld.idx.msk [tilespmem:v2+s3+$0x0], $0xffff  }
0x9e: {  	s26 =	simm.s32 $0x2870;
	s28 =	simm.s32 $0x7A48;
	s29 =	simm.s32 $0x28E8;
	v2 =	vld.idx.msk [tilespmem:v5+s3+$0x0], $0xffff;
	[tilespmem:s23+$0x30] =	vst v6  }
0x9f: {  	s25 =	sadd.s32 $0x80, s25;
	v5 =	vld.idx.msk [tilespmem:v7+s3+$0x0], $0xffff;
	[tilespmem:s23+$0xFFFFFFD0] =	vst v8  }
0xa0: {  	[tilespmem:s23+$0xFFFFFFE0] =	vst v4  }
0xa1: {  	[tilespmem:s23+$0xFFFFFFF0] =	vst v3  }
0xa2: {  	[tilespmem:s23+$0x0] =	vst v0  }
0xa3: {  	[tilespmem:s23+$0x10] =	vst v1  }
0xa4: {  	[tilespmem:s23+$0x20] =	vst v2  }
0xa5: {  	[tilespmem:s23+$0xFFFFFFC0] =	vst v5  }
.LBB2_12:
0xa6: {  	v0 =	vld [tilespmem:s29+$0x0];
	_ =	sdelay $0x6  }
0xa7: {  	s26 =	sadd.s32 $0x10, s26  }
0xa8: {  	p1 =	slt.u32 s26, $0x28A0;
	v0 =	vld.idx.msk [tilespmem:v0+s3+$0x0], $0xffff  }
.Ltmp5:
0xa9: {  	_ = 	snop;
	(pc) =	sbr.rel @p1 .LBB2_12-.Ltmp5, $2  }
0xaa: {  	_ =	sdelay $0x2  }
0xab: {  	s29 =	sadd.s32 $0x10, s29;
	[tilespmem:s28+$0x0] =	vst v0;
	s28 =	sadd.s32 $0x10, s28  }
0xac: {  	[hbm4b:s10+s3] =	stream.linear.scatter [tilespmem:s17], [sflag:$0x4], $0x28B0, $0x38;
	[tilespmem:$0xA3A8] =	vst v63  }
0xad: {  	s23 =	simm.s32 @!p0 $0x1  }
0xae: {  	_ =	swait.ge @!p0 [sflag:s23], $0x40  }
0xaf: {  	[sflag:s23] =	ssyncset.done @!p0 $0x0  }
0xb0: {  	[sflag:s23] =	ssyncadd.s32 @!p0 $0xFFFFFFC0  }
0xb1: {  	v0 =	vld @!p0 [tilespmem:$0xA328]  }
0xb2: {  	v1 =	vld @!p0 [tilespmem:$0xA338]  }
0xb3: {  	v2 =	vld @!p0 [tilespmem:$0xA348]  }
0xb4: {  	v3 =	vld @!p0 [tilespmem:$0xA358];
	_ =	sdelay $0x3  }
0xb5: {  	s23 =	simm.s32 @!p0 $0x0  }
0xb6: {  	v0 =	vld.idx.msk @!p0 [tilespmem:v0+s23+$0x0], $0xffff  }
0xb7: {  	v1 =	vld.idx.msk @!p0 [tilespmem:v1+s23+$0x0], $0xffff  }
0xb8: {  	v2 =	vld.idx.msk @!p0 [tilespmem:v2+s23+$0x0], $0xffff  }
0xb9: {  	v3 =	vld.idx.msk @!p0 [tilespmem:v3+s23+$0x0], $0xffff;
	_ =	sdelay $0x1  }
0xba: {  	[tilespmem:$0xA368] =	vst @!p0 v0  }
0xbb: {  	[tilespmem:$0xA378] =	vst @!p0 v1  }
0xbc: {  	[tilespmem:$0xA388] =	vst @!p0 v2  }
0xbd: {  	s24 =	simm.s32 @!p0 $0xA368;
	[tilespmem:$0xA398] =	vst @!p0 v3  }
0xbe: {  	[hbm4b:s11+s23] =	stream.linear.scatter @!p0 [tilespmem:s24], [sflag:$0x6], $0x40, $0x38;
	[tilespmem:$0xA3A8] =	vst v63  }
0xbf: {  	s23 =	simm.s32 @!p0 $0x6  }
0xc0: {  	_ =	swait.ge @!p0 [sflag:s23], $0x40  }
0xc1: {  	[sflag:s23] =	ssyncset.done @!p0 $0x0  }
0xc2: {  	s22 =	sadd.s32 $0x1, s22;
	[sflag:s23] =	ssyncadd.s32 @!p0 $0xFFFFFFC0  }
0xc3: {  	p1 =	sne.s32 s22, s12;
	_ =	swait.ge [sflag:s21], $0x28B0  }
.Ltmp6:
0xc4: {  	[sflag:s21] =	ssyncset.done $0x0;
	(pc) =	sbr.rel @p1 .LBB2_1-.Ltmp6, $4  }
0xc5: {  	[sflag:s21] =	ssyncadd.s32 $0xFFFFD750  }
0xc6: {  	_ =	swait.ge [sflag:s20], $0x28B0  }
0xc7: {  	[sflag:s20] =	ssyncset.done $0x0  }
0xc8: {  	[sflag:s20] =	ssyncadd.s32 $0xFFFFD750  }
0xc9: {  	_ =	sfence.sel $0x180000  }
0xca: {  	[bflag:$0x0] =	sbarrier.arrive $0xFFFF  }
0xcb: {  	p0 =	sne.s32 s0, $0x0;
	_ =	strace $0x90000047  }
0xcc: {  	s0 =	sadd.s32 @!p0 $0x100000, s1;
	[bflag:$0x2] =	sbarrier.arrive $0xFFFF  }
0xcd: {  	[sflag:s0] =	ssyncadd.tile.s32 @!p0 $0x1;
	_ =	shalt  }
.Lfunc_end2:
_tile_overlayer_lowered:
.L_overlay_start_2:
0xce: {  	(tag) =	ssettag $0x2  }
0xcf: {  	s0 =	rddreg [dreg:$0x0];
	s2 =	stileid.u32  }
0xd0: {  	s1 =	rddreg [dreg:$0x1];
	p0 =	sne.s32 s2, $0x0  }
0xd1: {  	s3 =	rddreg [dreg:$0x2];
	[bflag:$0x3] =	sbarrier.arrive $0xFFFF;
	s2 =	simm.s32 @!p0 $0x1C06  }
0xd2: {  	[timem:s3], [sflag:s2] =	dma.local @!p0 [hbm:s0], s1  }
0xd3: {  	s0 =	simm.s32 @!p0 $0x6  }
0xd4: {  	_ =	swait.ge @!p0 [sflag:s0], s1  }
0xd5: {  	s1 =	ssub.s32 @!p0 $0x0, s1;
	[sflag:s0] =	ssyncset.done @!p0 $0x0  }
0xd6: {  	[sflag:s0] =	ssyncadd.s32 @!p0 s1  }
0xd7: {  	[bflag:$0x3] =	sbarrier.arrive $0xFFFF  }
0xd8: {  	_ =	shalt  }

</sc_bundles>
